<compile_context>
chip_gen: v7x
topology: tpu7x:2x2x1
jax: 0.10.2.dev20260603
libtpu: 0.0.44.dev20260713+nightly
codegen_flags: <defaults>
</compile_context>

<pallas_src>
import functools

import numpy as np
import jax
import jax.numpy as jnp
from jax import lax
from jax.experimental import pallas as pl
from jax.experimental.pallas import tpu as pltpu
from jax.experimental.pallas import tpu_sc as plsc

_NUM_TYPES = 4
_NUM_SPLINES = 16
_SPLINE_SPAN = 12
_NUM_CHANNELS = 64
_N_NODES = 10000
_N_EDGES = 160000


_NC = 2
_NS = 16
_NW = _NC * _NS
_NTILES = _N_EDGES // 128
_WTILES = 40
_WEDGES = _WTILES * 128
_WVECS = _WEDGES // 16


def _classes_body(types_hbm, ei_hbm, cls_hbm, table_v, ei_v, c_v, sem, sem2):
    wid = lax.axis_index("s") * _NC + lax.axis_index("c")
    t0 = (wid * _NTILES) // _NW
    base = t0 * 128
    cp1 = pltpu.async_copy(types_hbm, table_v, sem)
    cp2 = pltpu.async_copy(ei_hbm.at[:, pl.ds(base, _WEDGES)], ei_v, sem2)
    cp1.wait()
    cp2.wait()

    def body(i, carry):
        for u in range(8):
            off = i * 128 + u * 16
            t0v = plsc.load_gather(table_v, [ei_v[0, pl.ds(off, 16)]])
            t1v = plsc.load_gather(table_v, [ei_v[1, pl.ds(off, 16)]])
            c_v[pl.ds(off, 16)] = t0v * _NUM_TYPES + t1v
        return carry

    lax.fori_loop(0, _WVECS // 8, body, 0)
    pltpu.sync_copy(c_v, cls_hbm.at[pl.ds(base, _WEDGES)])


def _make_classes_call():
    mesh = plsc.VectorSubcoreMesh(core_axis_name="c", subcore_axis_name="s")
    return pl.kernel(
        _classes_body,
        mesh=mesh,
        compiler_params=pltpu.CompilerParams(needs_layout_passes=False),
        out_type=jax.ShapeDtypeStruct((_N_EDGES,), jnp.int32),
        scratch_types=[
            pltpu.VMEM((_N_NODES,), jnp.int32),
            pltpu.VMEM((2, _WEDGES), jnp.int32),
            pltpu.VMEM((_WEDGES,), jnp.int32),
            pltpu.SemaphoreType.DMA,
            pltpu.SemaphoreType.DMA,
        ],
    )



_B = 16000
_NB = _N_EDGES // _B
_NSC = _NUM_TYPES * _NUM_TYPES * _NUM_SPLINES
_WIDTH = _SPLINE_SPAN / _NUM_SPLINES

_FREQ = np.float32(np.pi / _WIDTH)

_J = np.arange(_NSC)
_SJ = _J % _NUM_SPLINES
_KJ = _J // _NUM_SPLINES
_CJ = _SJ / (_NUM_SPLINES - 1.0)
_CLS_BLOCK = 2.0 * (_KJ[:, None] == np.arange(_NUM_TYPES * _NUM_TYPES)[None, :])
_QN = np.arange(32)
_QM = (_QN - 1) >> 1
_LO = _QM - 10
_HI = _QM + 11 + ((_QN - 1) & 1)
_WIN_BLOCK = 2.0 * ((_SJ[:, None] >= _LO[None, :]) & (_SJ[:, None] <= _HI[None, :]))
_MF = np.concatenate([
    (0.5 * np.cos(np.pi * _CJ / _WIDTH))[:, None],
    (0.5 * np.sin(np.pi * _CJ / _WIDTH))[:, None],
    np.full((_NSC, 1), 0.5 - 4.0),
    _CLS_BLOCK,
    _WIN_BLOCK,
], axis=1).astype(np.float32)


def _embed_body(nl_ref, cls_ref, mf_ref, w_ref, out_ref):
    off = pl.multiple_of(pl.program_id(0) * _B, _B)
    x = nl_ref[pl.ds(off, _B)].reshape(1, _B)
    cls = cls_ref[pl.ds(off, _B)].reshape(1, _B)
    a = x * _FREQ
    ohc = (lax.broadcasted_iota(jnp.int32, (16, _B), 0) == cls
           ).astype(jnp.bfloat16)
    qn = jnp.floor(x * 30.0 - 0.5).astype(jnp.int32) + 1
    ohw = (lax.broadcasted_iota(jnp.int32, (32, _B), 0) == qn
           ).astype(jnp.bfloat16)
    rows = jnp.concatenate(
        [jnp.cos(a).astype(jnp.bfloat16), jnp.sin(a).astype(jnp.bfloat16),
         jnp.ones((1, _B), jnp.bfloat16), ohc, ohw], axis=0)
    combined = jnp.maximum(
        jnp.dot(mf_ref[...], rows, preferred_element_type=jnp.float32),
        0.0).astype(jnp.bfloat16)
    out_ref[...] = lax.dot_general(
        w_ref[...], combined, (((0,), (0,)), ((), ())),
        preferred_element_type=jnp.float32)


def _make_embed_call():
    return pl.pallas_call(
        _embed_body,
        grid=(_NB,),
        in_specs=[
            pl.BlockSpec((_N_EDGES,), lambda i: (0,)),
            pl.BlockSpec((_N_EDGES,), lambda i: (0,)),
            pl.BlockSpec((_NSC, 51), lambda i: (0, 0)),
            pl.BlockSpec((_NSC, _NUM_CHANNELS), lambda i: (0, 0)),
        ],
        out_specs=pl.BlockSpec((_NUM_CHANNELS, _B), lambda i: (0, i)),
        out_shape=jax.ShapeDtypeStruct((_NUM_CHANNELS, _N_EDGES), jnp.float32),
    )


def kernel(norm_length, atom_types, edge_index, class_embed_weight):
    at = atom_types.reshape(-1).astype(jnp.int32)
    classes = _make_classes_call()(at, edge_index.astype(jnp.int32))
    w = class_embed_weight.reshape(_NSC, _NUM_CHANNELS).astype(jnp.bfloat16)
    out_t = _make_embed_call()(norm_length.reshape(-1), classes,
                               jnp.asarray(_MF, dtype=jnp.bfloat16), w)
    return out_t.T

# --- scband reference (transcript-rebuilt; emitter-appended) ---
"""Pipeline reference for scband-two-body-spline-scalar-embed-47614007444164 (READ-ONLY COPY).

The authoritative reference and input builder live on the scoring server;
editing this copy changes nothing except your own understanding.
"""

import jax, jax.numpy as jnp
import numpy as np

NUM_TYPES = 4
NUM_SPLINES = 16
SPLINE_SPAN = 12
NUM_CHANNELS = 64
N_NODES = 10000
N_EDGES = 160000


def _spline_basis(x):
    # Smooth overlapping bump basis on [0, 1]: num_splines centers, width set by
    # spline_span (number of overlapping basis functions on the grid).
    centers = jnp.linspace(0.0, 1.0, NUM_SPLINES, dtype=x.dtype)
    width = SPLINE_SPAN / NUM_SPLINES
    u = (x[:, None] - centers[None, :]) / width
    return jnp.where(jnp.abs(u) < 1.0, 0.5 * (jnp.cos(np.pi * u) + 1.0), 0.0)


def setup_inputs(seed: int = 0) -> dict:
    key = jax.random.key(seed)
    k1, k2, k3, k4 = jax.random.split(key, 4)
    norm_length = jax.random.uniform(k1, (N_EDGES,), dtype=jnp.float32)
    atom_types = jax.random.randint(k2, (N_NODES,), 0, NUM_TYPES)
    edge_index = jax.random.randint(k3, (2, N_EDGES), 0, N_NODES)
    # PerClassSpline.class_embed: [num_types**2, num_splines * num_channels],
    # init uniform(-bound, bound) with bound = sqrt(3 / spline_span) (forward_weight_init=True)
    bound = (3.0 / SPLINE_SPAN) ** 0.5
    class_embed_weight = jax.random.uniform(
        k4, (NUM_TYPES * NUM_TYPES, NUM_SPLINES * NUM_CHANNELS),
        dtype=jnp.float32, minval=-bound, maxval=bound)
    return {
        "norm_length": norm_length,
        "atom_types": atom_types,
        "edge_index": edge_index,
        "class_embed_weight": class_embed_weight,
    }


def reference(norm_length, atom_types, edge_index, class_embed_weight):
    # edge types from endpoint atom types (edge_type_field not provided)
    edge_types = jnp.take(atom_types.reshape(-1), edge_index.reshape(-1), axis=0).reshape(2, -1)
    classes = edge_types[0] * NUM_TYPES + edge_types[1]  # [E]
    basis = _spline_basis(norm_length.reshape(-1))  # [E, num_splines]
    w = jnp.take(class_embed_weight, classes, axis=0).reshape(-1, NUM_SPLINES, NUM_CHANNELS)
    out = jnp.einsum('es,esc->ec', basis, w)  # [E, num_channels]
    return out

if __name__ == "__main__":
    import jax
    _d = setup_inputs()
    print(jax.jit(kernel)(*tuple(_d.values())))

</pallas_src>

<mosaic_0001>
#map = affine_map<(d0, d1) -> (0)>
#map1 = affine_map<(d0, d1) -> (0, 0)>
module attributes {stable_mosaic.version = 14 : i64} {
  func.func @_classes_body(%arg0: i32, %arg1: i32, %arg2: memref<10000xi32, #tpu.memory_space<hbm>>, %arg3: memref<2x160000xi32, #tpu.memory_space<hbm>>, %arg4: memref<160000xi32, #tpu.memory_space<hbm>>, %arg5: memref<10000xi32, #tpu.memory_space<vmem>>, %arg6: memref<2x5120xi32, #tpu.memory_space<vmem>>, %arg7: memref<5120xi32, #tpu.memory_space<vmem>>, %arg8: memref<!tpu.dma_semaphore, #tpu.memory_space<semaphore_mem>>, %arg9: memref<!tpu.dma_semaphore, #tpu.memory_space<semaphore_mem>>) attributes {dimension_semantics = [#tpu.dimension_semantics<core_parallel>, #tpu.dimension_semantics<subcore_parallel>], iteration_bounds = array<i64: 2, 16>, scalar_prefetch = 0 : i64, scratch_operands = 5 : i64, tpu.core_type = #tpu.core_type<sc_vector_subcore>, window_params = [{transform_indices = #map}, {transform_indices = #map1}, {transform_indices = #map}]} {
    %mul3A = arith.constant 2 : i32
    %mul3A_0 = arith.muli %arg1, %mul3A : i32
    %add3A = arith.addi %mul3A_0, %arg0 : i32
    %mul3A_1 = arith.constant 1250 : i32
    %mul3A_2 = arith.muli %add3A, %mul3A_1 : i32
    %jit3A = arith.constant 32 : i32
    %div3A = arith.divsi %mul3A_2, %jit3A : i32
    %sign3A = arith.constant 0 : i32
    %sign3A_3 = arith.cmpi sgt, %mul3A_2, %sign3A : i32
    %sign3A_4 = arith.extui %sign3A_3 : i1 to i32
    %sign3A_5 = arith.constant 0 : i32
    %sign3A_6 = arith.cmpi slt, %mul3A_2, %sign3A_5 : i32
    %sign3A_7 = arith.extui %sign3A_6 : i1 to i32
    %sign3A_8 = arith.subi %sign3A_4, %sign3A_7 : i32
    %sign3A_9 = arith.constant 0 : i32
    %sign3A_10 = arith.cmpi sgt, %jit3A, %sign3A_9 : i32
    %sign3A_11 = arith.extui %sign3A_10 : i1 to i32
    %sign3A_12 = arith.constant 0 : i32
    %sign3A_13 = arith.cmpi slt, %jit3A, %sign3A_12 : i32
    %sign3A_14 = arith.extui %sign3A_13 : i1 to i32
    %sign3A_15 = arith.subi %sign3A_11, %sign3A_14 : i32
    %ne3A = arith.cmpi ne, %sign3A_8, %sign3A_15 : i32
    %rem3A = arith.remsi %mul3A_2, %jit3A : i32
    %ne3A_16 = arith.constant 0 : i32
    %ne3A_17 = arith.cmpi ne, %rem3A, %ne3A_16 : i32
    %and3A = arith.andi %ne3A, %ne3A_17 : i1
    %sub3A = arith.constant 1 : i32
    %sub3A_18 = arith.subi %div3A, %sub3A : i32
    %select_n3A = arith.select %and3A, %sub3A_18, %div3A : i32
    %mul3A_19 = arith.constant 128 : i32
    %mul3A_20 = arith.muli %select_n3A, %mul3A_19 : i32
    tpu.enqueue_dma source(%arg2 : memref<10000xi32, #tpu.memory_space<hbm>>) target(%arg5 : memref<10000xi32, #tpu.memory_space<vmem>>) target_semaphore(%arg8 : memref<!tpu.dma_semaphore, #tpu.memory_space<semaphore_mem>>)
    %dma_start3A = arith.constant 0 : i32
    %dma_start3A_21 = tpu.memref_slice %arg3[%dma_start3A, %mul3A_20] : memref<2x160000xi32, #tpu.memory_space<hbm>> -> memref<2x5120xi32, #tpu.memory_space<hbm>>
    %dma_start3A_22 = arith.constant 0 : i32
    %dma_start3A_23 = tpu.memref_slice %arg3[%dma_start3A_22, %mul3A_20] : memref<2x160000xi32, #tpu.memory_space<hbm>> -> memref<2x5120xi32, #tpu.memory_space<hbm>>
    tpu.enqueue_dma source(%dma_start3A_23 : memref<2x5120xi32, #tpu.memory_space<hbm>>) target(%arg6 : memref<2x5120xi32, #tpu.memory_space<vmem>>) target_semaphore(%arg9 : memref<!tpu.dma_semaphore, #tpu.memory_space<semaphore_mem>>)
    tpu.wait_dma2 semaphore(%arg8 : memref<!tpu.dma_semaphore, #tpu.memory_space<semaphore_mem>>) src(%arg2 : memref<10000xi32, #tpu.memory_space<hbm>>) dst(%arg5 : memref<10000xi32, #tpu.memory_space<vmem>>)
    %dma_wait3A = arith.constant 0 : i32
    %dma_wait3A_24 = tpu.memref_slice %arg3[%dma_wait3A, %mul3A_20] : memref<2x160000xi32, #tpu.memory_space<hbm>> -> memref<2x5120xi32, #tpu.memory_space<hbm>>
    %dma_wait3A_25 = arith.constant 0 : i32
    %dma_wait3A_26 = tpu.memref_slice %arg3[%dma_wait3A_25, %mul3A_20] : memref<2x160000xi32, #tpu.memory_space<hbm>> -> memref<2x5120xi32, #tpu.memory_space<hbm>>
    tpu.wait_dma2 semaphore(%arg9 : memref<!tpu.dma_semaphore, #tpu.memory_space<semaphore_mem>>) src(%dma_wait3A_26 : memref<2x5120xi32, #tpu.memory_space<hbm>>) dst(%arg6 : memref<2x5120xi32, #tpu.memory_space<vmem>>)
    %scan3A = arith.constant 0 : i32
    %scan3A_27 = arith.constant 0 : i32
    %scan3A_28 = arith.constant 40 : i32
    %scan3A_29 = arith.addi %scan3A_27, %scan3A_28 : i32
    %scan3A_30 = arith.constant 1 : i32
    scf.for %scan3A_32 = %scan3A_27 to %scan3A_29 step %scan3A_30  : i32 {
      %mul3A_33 = arith.constant 128 : i32
      %mul3A_34 = arith.muli %scan3A_32, %mul3A_33 : i32
      %add3A_35 = arith.constant 0 : i32
      %add3A_36 = arith.addi %mul3A_34, %add3A_35 : i32
      %get3A = arith.constant 0 : i32
      %get3A_37 = arith.index_cast %get3A : i32 to index
      %get3A_38 = arith.index_cast %add3A_36 : i32 to index
      %get3A_39 = tpu.vector_load %arg6[%get3A_37, %get3A_38] {strides = array<i32>} : memref<2x5120xi32, #tpu.memory_space<vmem>>, vector<16xi32>,
      %gather3A = tpu.vector_load_idx %arg5[%get3A_39] : memref<10000xi32, #tpu.memory_space<vmem>>[vector<16xi32>], vector<16xi32>,
      %get3A_40 = arith.constant 1 : i32
      %get3A_41 = arith.index_cast %get3A_40 : i32 to index
      %get3A_42 = arith.index_cast %add3A_36 : i32 to index
      %get3A_43 = tpu.vector_load %arg6[%get3A_41, %get3A_42] {strides = array<i32>} : memref<2x5120xi32, #tpu.memory_space<vmem>>, vector<16xi32>,
      %gather3A_44 = tpu.vector_load_idx %arg5[%get3A_43] : memref<10000xi32, #tpu.memory_space<vmem>>[vector<16xi32>], vector<16xi32>,
      %mul3A_45 = arith.constant 4 : i32
      %mul3A_46 = vector.broadcast %mul3A_45 : i32 to vector<16xi32>
      %mul3A_47 = arith.muli %gather3A, %mul3A_46 : vector<16xi32>
      %add3A_48 = arith.addi %mul3A_47, %gather3A_44 : vector<16xi32>
      %swap3A = arith.index_cast %add3A_36 : i32 to index
      %swap3A_49 = tpu.vector_load %arg7[%swap3A] {strides = array<i32>} : memref<5120xi32, #tpu.memory_space<vmem>>, vector<16xi32>,
      tpu.vector_store %arg7[%swap3A], %add3A_48 {strides = array<i32>} : memref<5120xi32, #tpu.memory_space<vmem>>, vector<16xi32>,
      %mul3A_50 = arith.constant 128 : i32
      %mul3A_51 = arith.muli %scan3A_32, %mul3A_50 : i32
      %add3A_52 = arith.constant 16 : i32
      %add3A_53 = arith.addi %mul3A_51, %add3A_52 : i32
      %get3A_54 = arith.constant 0 : i32
      %get3A_55 = arith.index_cast %get3A_54 : i32 to index
      %get3A_56 = arith.index_cast %add3A_53 : i32 to index
      %get3A_57 = tpu.vector_load %arg6[%get3A_55, %get3A_56] {strides = array<i32>} : memref<2x5120xi32, #tpu.memory_space<vmem>>, vector<16xi32>,
      %gather3A_58 = tpu.vector_load_idx %arg5[%get3A_57] : memref<10000xi32, #tpu.memory_space<vmem>>[vector<16xi32>], vector<16xi32>,
      %get3A_59 = arith.constant 1 : i32
      %get3A_60 = arith.index_cast %get3A_59 : i32 to index
      %get3A_61 = arith.index_cast %add3A_53 : i32 to index
      %get3A_62 = tpu.vector_load %arg6[%get3A_60, %get3A_61] {strides = array<i32>} : memref<2x5120xi32, #tpu.memory_space<vmem>>, vector<16xi32>,
      %gather3A_63 = tpu.vector_load_idx %arg5[%get3A_62] : memref<10000xi32, #tpu.memory_space<vmem>>[vector<16xi32>], vector<16xi32>,
      %mul3A_64 = arith.constant 4 : i32
      %mul3A_65 = vector.broadcast %mul3A_64 : i32 to vector<16xi32>
      %mul3A_66 = arith.muli %gather3A_58, %mul3A_65 : vector<16xi32>
      %add3A_67 = arith.addi %mul3A_66, %gather3A_63 : vector<16xi32>
      %swap3A_68 = arith.index_cast %add3A_53 : i32 to index
      %swap3A_69 = tpu.vector_load %arg7[%swap3A_68] {strides = array<i32>} : memref<5120xi32, #tpu.memory_space<vmem>>, vector<16xi32>,
      tpu.vector_store %arg7[%swap3A_68], %add3A_67 {strides = array<i32>} : memref<5120xi32, #tpu.memory_space<vmem>>, vector<16xi32>,
      %mul3A_70 = arith.constant 128 : i32
      %mul3A_71 = arith.muli %scan3A_32, %mul3A_70 : i32
      %add3A_72 = arith.constant 32 : i32
      %add3A_73 = arith.addi %mul3A_71, %add3A_72 : i32
      %get3A_74 = arith.constant 0 : i32
      %get3A_75 = arith.index_cast %get3A_74 : i32 to index
      %get3A_76 = arith.index_cast %add3A_73 : i32 to index
      %get3A_77 = tpu.vector_load %arg6[%get3A_75, %get3A_76] {strides = array<i32>} : memref<2x5120xi32, #tpu.memory_space<vmem>>, vector<16xi32>,
      %gather3A_78 = tpu.vector_load_idx %arg5[%get3A_77] : memref<10000xi32, #tpu.memory_space<vmem>>[vector<16xi32>], vector<16xi32>,
      %get3A_79 = arith.constant 1 : i32
      %get3A_80 = arith.index_cast %get3A_79 : i32 to index
      %get3A_81 = arith.index_cast %add3A_73 : i32 to index
      %get3A_82 = tpu.vector_load %arg6[%get3A_80, %get3A_81] {strides = array<i32>} : memref<2x5120xi32, #tpu.memory_space<vmem>>, vector<16xi32>,
      %gather3A_83 = tpu.vector_load_idx %arg5[%get3A_82] : memref<10000xi32, #tpu.memory_space<vmem>>[vector<16xi32>], vector<16xi32>,
      %mul3A_84 = arith.constant 4 : i32
      %mul3A_85 = vector.broadcast %mul3A_84 : i32 to vector<16xi32>
      %mul3A_86 = arith.muli %gather3A_78, %mul3A_85 : vector<16xi32>
      %add3A_87 = arith.addi %mul3A_86, %gather3A_83 : vector<16xi32>
      %swap3A_88 = arith.index_cast %add3A_73 : i32 to index
      %swap3A_89 = tpu.vector_load %arg7[%swap3A_88] {strides = array<i32>} : memref<5120xi32, #tpu.memory_space<vmem>>, vector<16xi32>,
      tpu.vector_store %arg7[%swap3A_88], %add3A_87 {strides = array<i32>} : memref<5120xi32, #tpu.memory_space<vmem>>, vector<16xi32>,
      %mul3A_90 = arith.constant 128 : i32
      %mul3A_91 = arith.muli %scan3A_32, %mul3A_90 : i32
      %add3A_92 = arith.constant 48 : i32
      %add3A_93 = arith.addi %mul3A_91, %add3A_92 : i32
      %get3A_94 = arith.constant 0 : i32
      %get3A_95 = arith.index_cast %get3A_94 : i32 to index
      %get3A_96 = arith.index_cast %add3A_93 : i32 to index
      %get3A_97 = tpu.vector_load %arg6[%get3A_95, %get3A_96] {strides = array<i32>} : memref<2x5120xi32, #tpu.memory_space<vmem>>, vector<16xi32>,
      %gather3A_98 = tpu.vector_load_idx %arg5[%get3A_97] : memref<10000xi32, #tpu.memory_space<vmem>>[vector<16xi32>], vector<16xi32>,
      %get3A_99 = arith.constant 1 : i32
      %get3A_100 = arith.index_cast %get3A_99 : i32 to index
      %get3A_101 = arith.index_cast %add3A_93 : i32 to index
      %get3A_102 = tpu.vector_load %arg6[%get3A_100, %get3A_101] {strides = array<i32>} : memref<2x5120xi32, #tpu.memory_space<vmem>>, vector<16xi32>,
      %gather3A_103 = tpu.vector_load_idx %arg5[%get3A_102] : memref<10000xi32, #tpu.memory_space<vmem>>[vector<16xi32>], vector<16xi32>,
      %mul3A_104 = arith.constant 4 : i32
      %mul3A_105 = vector.broadcast %mul3A_104 : i32 to vector<16xi32>
      %mul3A_106 = arith.muli %gather3A_98, %mul3A_105 : vector<16xi32>
      %add3A_107 = arith.addi %mul3A_106, %gather3A_103 : vector<16xi32>
      %swap3A_108 = arith.index_cast %add3A_93 : i32 to index
      %swap3A_109 = tpu.vector_load %arg7[%swap3A_108] {strides = array<i32>} : memref<5120xi32, #tpu.memory_space<vmem>>, vector<16xi32>,
      tpu.vector_store %arg7[%swap3A_108], %add3A_107 {strides = array<i32>} : memref<5120xi32, #tpu.memory_space<vmem>>, vector<16xi32>,
      %mul3A_110 = arith.constant 128 : i32
      %mul3A_111 = arith.muli %scan3A_32, %mul3A_110 : i32
      %add3A_112 = arith.constant 64 : i32
      %add3A_113 = arith.addi %mul3A_111, %add3A_112 : i32
      %get3A_114 = arith.constant 0 : i32
      %get3A_115 = arith.index_cast %get3A_114 : i32 to index
      %get3A_116 = arith.index_cast %add3A_113 : i32 to index
      %get3A_117 = tpu.vector_load %arg6[%get3A_115, %get3A_116] {strides = array<i32>} : memref<2x5120xi32, #tpu.memory_space<vmem>>, vector<16xi32>,
      %gather3A_118 = tpu.vector_load_idx %arg5[%get3A_117] : memref<10000xi32, #tpu.memory_space<vmem>>[vector<16xi32>], vector<16xi32>,
      %get3A_119 = arith.constant 1 : i32
      %get3A_120 = arith.index_cast %get3A_119 : i32 to index
      %get3A_121 = arith.index_cast %add3A_113 : i32 to index
      %get3A_122 = tpu.vector_load %arg6[%get3A_120, %get3A_121] {strides = array<i32>} : memref<2x5120xi32, #tpu.memory_space<vmem>>, vector<16xi32>,
      %gather3A_123 = tpu.vector_load_idx %arg5[%get3A_122] : memref<10000xi32, #tpu.memory_space<vmem>>[vector<16xi32>], vector<16xi32>,
      %mul3A_124 = arith.constant 4 : i32
      %mul3A_125 = vector.broadcast %mul3A_124 : i32 to vector<16xi32>
      %mul3A_126 = arith.muli %gather3A_118, %mul3A_125 : vector<16xi32>
      %add3A_127 = arith.addi %mul3A_126, %gather3A_123 : vector<16xi32>
      %swap3A_128 = arith.index_cast %add3A_113 : i32 to index
      %swap3A_129 = tpu.vector_load %arg7[%swap3A_128] {strides = array<i32>} : memref<5120xi32, #tpu.memory_space<vmem>>, vector<16xi32>,
      tpu.vector_store %arg7[%swap3A_128], %add3A_127 {strides = array<i32>} : memref<5120xi32, #tpu.memory_space<vmem>>, vector<16xi32>,
      %mul3A_130 = arith.constant 128 : i32
      %mul3A_131 = arith.muli %scan3A_32, %mul3A_130 : i32
      %add3A_132 = arith.constant 80 : i32
      %add3A_133 = arith.addi %mul3A_131, %add3A_132 : i32
      %get3A_134 = arith.constant 0 : i32
      %get3A_135 = arith.index_cast %get3A_134 : i32 to index
      %get3A_136 = arith.index_cast %add3A_133 : i32 to index
      %get3A_137 = tpu.vector_load %arg6[%get3A_135, %get3A_136] {strides = array<i32>} : memref<2x5120xi32, #tpu.memory_space<vmem>>, vector<16xi32>,
      %gather3A_138 = tpu.vector_load_idx %arg5[%get3A_137] : memref<10000xi32, #tpu.memory_space<vmem>>[vector<16xi32>], vector<16xi32>,
      %get3A_139 = arith.constant 1 : i32
      %get3A_140 = arith.index_cast %get3A_139 : i32 to index
      %get3A_141 = arith.index_cast %add3A_133 : i32 to index
      %get3A_142 = tpu.vector_load %arg6[%get3A_140, %get3A_141] {strides = array<i32>} : memref<2x5120xi32, #tpu.memory_space<vmem>>, vector<16xi32>,
      %gather3A_143 = tpu.vector_load_idx %arg5[%get3A_142] : memref<10000xi32, #tpu.memory_space<vmem>>[vector<16xi32>], vector<16xi32>,
      %mul3A_144 = arith.constant 4 : i32
      %mul3A_145 = vector.broadcast %mul3A_144 : i32 to vector<16xi32>
      %mul3A_146 = arith.muli %gather3A_138, %mul3A_145 : vector<16xi32>
      %add3A_147 = arith.addi %mul3A_146, %gather3A_143 : vector<16xi32>
      %swap3A_148 = arith.index_cast %add3A_133 : i32 to index
      %swap3A_149 = tpu.vector_load %arg7[%swap3A_148] {strides = array<i32>} : memref<5120xi32, #tpu.memory_space<vmem>>, vector<16xi32>,
      tpu.vector_store %arg7[%swap3A_148], %add3A_147 {strides = array<i32>} : memref<5120xi32, #tpu.memory_space<vmem>>, vector<16xi32>,
      %mul3A_150 = arith.constant 128 : i32
      %mul3A_151 = arith.muli %scan3A_32, %mul3A_150 : i32
      %add3A_152 = arith.constant 96 : i32
      %add3A_153 = arith.addi %mul3A_151, %add3A_152 : i32
      %get3A_154 = arith.constant 0 : i32
      %get3A_155 = arith.index_cast %get3A_154 : i32 to index
      %get3A_156 = arith.index_cast %add3A_153 : i32 to index
      %get3A_157 = tpu.vector_load %arg6[%get3A_155, %get3A_156] {strides = array<i32>} : memref<2x5120xi32, #tpu.memory_space<vmem>>, vector<16xi32>,
      %gather3A_158 = tpu.vector_load_idx %arg5[%get3A_157] : memref<10000xi32, #tpu.memory_space<vmem>>[vector<16xi32>], vector<16xi32>,
      %get3A_159 = arith.constant 1 : i32
      %get3A_160 = arith.index_cast %get3A_159 : i32 to index
      %get3A_161 = arith.index_cast %add3A_153 : i32 to index
      %get3A_162 = tpu.vector_load %arg6[%get3A_160, %get3A_161] {strides = array<i32>} : memref<2x5120xi32, #tpu.memory_space<vmem>>, vector<16xi32>,
      %gather3A_163 = tpu.vector_load_idx %arg5[%get3A_162] : memref<10000xi32, #tpu.memory_space<vmem>>[vector<16xi32>], vector<16xi32>,
      %mul3A_164 = arith.constant 4 : i32
      %mul3A_165 = vector.broadcast %mul3A_164 : i32 to vector<16xi32>
      %mul3A_166 = arith.muli %gather3A_158, %mul3A_165 : vector<16xi32>
      %add3A_167 = arith.addi %mul3A_166, %gather3A_163 : vector<16xi32>
      %swap3A_168 = arith.index_cast %add3A_153 : i32 to index
      %swap3A_169 = tpu.vector_load %arg7[%swap3A_168] {strides = array<i32>} : memref<5120xi32, #tpu.memory_space<vmem>>, vector<16xi32>,
      tpu.vector_store %arg7[%swap3A_168], %add3A_167 {strides = array<i32>} : memref<5120xi32, #tpu.memory_space<vmem>>, vector<16xi32>,
      %mul3A_170 = arith.constant 128 : i32
      %mul3A_171 = arith.muli %scan3A_32, %mul3A_170 : i32
      %add3A_172 = arith.constant 112 : i32
      %add3A_173 = arith.addi %mul3A_171, %add3A_172 : i32
      %get3A_174 = arith.constant 0 : i32
      %get3A_175 = arith.index_cast %get3A_174 : i32 to index
      %get3A_176 = arith.index_cast %add3A_173 : i32 to index
      %get3A_177 = tpu.vector_load %arg6[%get3A_175, %get3A_176] {strides = array<i32>} : memref<2x5120xi32, #tpu.memory_space<vmem>>, vector<16xi32>,
      %gather3A_178 = tpu.vector_load_idx %arg5[%get3A_177] : memref<10000xi32, #tpu.memory_space<vmem>>[vector<16xi32>], vector<16xi32>,
      %get3A_179 = arith.constant 1 : i32
      %get3A_180 = arith.index_cast %get3A_179 : i32 to index
      %get3A_181 = arith.index_cast %add3A_173 : i32 to index
      %get3A_182 = tpu.vector_load %arg6[%get3A_180, %get3A_181] {strides = array<i32>} : memref<2x5120xi32, #tpu.memory_space<vmem>>, vector<16xi32>,
      %gather3A_183 = tpu.vector_load_idx %arg5[%get3A_182] : memref<10000xi32, #tpu.memory_space<vmem>>[vector<16xi32>], vector<16xi32>,
      %mul3A_184 = arith.constant 4 : i32
      %mul3A_185 = vector.broadcast %mul3A_184 : i32 to vector<16xi32>
      %mul3A_186 = arith.muli %gather3A_178, %mul3A_185 : vector<16xi32>
      %add3A_187 = arith.addi %mul3A_186, %gather3A_183 : vector<16xi32>
      %swap3A_188 = arith.index_cast %add3A_173 : i32 to index
      %swap3A_189 = tpu.vector_load %arg7[%swap3A_188] {strides = array<i32>} : memref<5120xi32, #tpu.memory_space<vmem>>, vector<16xi32>,
      tpu.vector_store %arg7[%swap3A_188], %add3A_187 {strides = array<i32>} : memref<5120xi32, #tpu.memory_space<vmem>>, vector<16xi32>,
    }
    %scan3A_31 = arith.constant 40 : i32
    "tpu.region"() ({
      %run_scoped3A = tpu.sem_alloc : memref<!tpu.dma_semaphore, #tpu.memory_space<semaphore_mem>>
      %dma_start3A_32 = tpu.memref_slice %arg4[%mul3A_20] : memref<160000xi32, #tpu.memory_space<hbm>> -> memref<5120xi32, #tpu.memory_space<hbm>>
      %dma_start3A_33 = tpu.memref_slice %arg4[%mul3A_20] : memref<160000xi32, #tpu.memory_space<hbm>> -> memref<5120xi32, #tpu.memory_space<hbm>>
      tpu.enqueue_dma source(%arg7 : memref<5120xi32, #tpu.memory_space<vmem>>) target(%dma_start3A_33 : memref<5120xi32, #tpu.memory_space<hbm>>) target_semaphore(%run_scoped3A : memref<!tpu.dma_semaphore, #tpu.memory_space<semaphore_mem>>)
      %dma_wait3A_34 = tpu.memref_slice %arg4[%mul3A_20] : memref<160000xi32, #tpu.memory_space<hbm>> -> memref<5120xi32, #tpu.memory_space<hbm>>
      %dma_wait3A_35 = tpu.memref_slice %arg4[%mul3A_20] : memref<160000xi32, #tpu.memory_space<hbm>> -> memref<5120xi32, #tpu.memory_space<hbm>>
      tpu.wait_dma2 semaphore(%run_scoped3A : memref<!tpu.dma_semaphore, #tpu.memory_space<semaphore_mem>>) src(%arg7 : memref<5120xi32, #tpu.memory_space<vmem>>) dst(%dma_wait3A_35 : memref<5120xi32, #tpu.memory_space<hbm>>)
      tpu.yield
    }) : () -> ()
    return
  }
}

module attributes {stable_mosaic.version = 14 : i64} {
  func.func @_embed_body(%arg0: i32, %arg1: memref<160000xf32, #tpu.memory_space<vmem>>, %arg2: memref<160000xi32, #tpu.memory_space<vmem>>, %arg3: memref<256x51xbf16, #tpu.memory_space<vmem>>, %arg4: memref<256x64xbf16, #tpu.memory_space<vmem>>, %arg5: memref<64x16000xf32, #tpu.memory_space<vmem>>) attributes {dimension_semantics = [#tpu.dimension_semantics<arbitrary>], iteration_bounds = array<i64: 10>, scalar_prefetch = 0 : i64, scratch_operands = 0 : i64, tpu.core_type = #tpu.core_type<tc>, window_params = [{pipeline_mode = #tpu.pipeline_mode<synchronous>, transform_indices = @transform_0, window_bounds = array<i64: 160000>}, {pipeline_mode = #tpu.pipeline_mode<synchronous>, transform_indices = @transform_1, window_bounds = array<i64: 160000>}, {pipeline_mode = #tpu.pipeline_mode<synchronous>, transform_indices = @transform_2, window_bounds = array<i64: 256, 51>}, {pipeline_mode = #tpu.pipeline_mode<synchronous>, transform_indices = @transform_3, window_bounds = array<i64: 256, 64>}, {transform_indices = @transform_4, window_bounds = array<i64: 64, 16000>}]} {
    %mul3A = arith.constant 16000 : i32
    %mul3A_0 = arith.muli %arg0, %mul3A : i32
    %multiple_of3A = tpu.assume_multiple %mul3A_0, 16000 : i32
    %get3A = arith.index_cast %multiple_of3A : i32 to index
    %get3A_1 = vector.load %arg1[%get3A] : memref<160000xf32, #tpu.memory_space<vmem>>, vector<16000xf32>
    %reshape3A = vector.shape_cast %get3A_1 : vector<16000xf32> to vector<1x16000xf32>
    %get3A_2 = arith.index_cast %multiple_of3A : i32 to index
    %get3A_3 = vector.load %arg2[%get3A_2] : memref<160000xi32, #tpu.memory_space<vmem>>, vector<16000xi32>
    %reshape3A_4 = vector.shape_cast %get3A_3 : vector<16000xi32> to vector<1x16000xi32>
    %mul3A_5 = arith.constant 4.18879032 : f32
    %mul3A_6 = vector.broadcast %mul3A_5 : f32 to vector<1x16000xf32>
    %mul3A_7 = arith.mulf %reshape3A, %mul3A_6 : vector<1x16000xf32>
    %iota3A = tpu.iota {dimensions = array<i32: 0>} : vector<16x16000xi32>
    %eq3A = vector.broadcast %reshape3A_4 : vector<1x16000xi32> to vector<16x16000xi32>
    %eq3A_8 = arith.cmpi eq, %iota3A, %eq3A : vector<16x16000xi32>
    %convert_element_type3A = arith.extui %eq3A_8 : vector<16x16000xi1> to vector<16x16000xi32>
    %convert_element_type3A_9 = arith.sitofp %convert_element_type3A : vector<16x16000xi32> to vector<16x16000xf32>
    %convert_element_type3A_10 = arith.truncf %convert_element_type3A_9 : vector<16x16000xf32> to vector<16x16000xbf16>
    %mul3A_11 = arith.constant 3.000000e+01 : f32
    %mul3A_12 = vector.broadcast %mul3A_11 : f32 to vector<1x16000xf32>
    %mul3A_13 = arith.mulf %reshape3A, %mul3A_12 : vector<1x16000xf32>
    %sub3A = arith.constant 5.000000e-01 : f32
    %sub3A_14 = vector.broadcast %sub3A : f32 to vector<1x16000xf32>
    %sub3A_15 = arith.subf %mul3A_13, %sub3A_14 : vector<1x16000xf32>
    %floor3A = math.floor %sub3A_15 : vector<1x16000xf32>
    %convert_element_type3A_16 = arith.fptosi %floor3A : vector<1x16000xf32> to vector<1x16000xi32>
    %add3A = arith.constant 1 : i32
    %add3A_17 = vector.broadcast %add3A : i32 to vector<1x16000xi32>
    %add3A_18 = arith.addi %convert_element_type3A_16, %add3A_17 : vector<1x16000xi32>
    %iota3A_19 = tpu.iota {dimensions = array<i32: 0>} : vector<32x16000xi32>
    %eq3A_20 = vector.broadcast %add3A_18 : vector<1x16000xi32> to vector<32x16000xi32>
    %eq3A_21 = arith.cmpi eq, %iota3A_19, %eq3A_20 : vector<32x16000xi32>
    %convert_element_type3A_22 = arith.extui %eq3A_21 : vector<32x16000xi1> to vector<32x16000xi32>
    %convert_element_type3A_23 = arith.sitofp %convert_element_type3A_22 : vector<32x16000xi32> to vector<32x16000xf32>
    %convert_element_type3A_24 = arith.truncf %convert_element_type3A_23 : vector<32x16000xf32> to vector<32x16000xbf16>
    %cos3A = math.cos %mul3A_7 : vector<1x16000xf32>
    %convert_element_type3A_25 = arith.truncf %cos3A : vector<1x16000xf32> to vector<1x16000xbf16>
    %sin3A = math.sin %mul3A_7 : vector<1x16000xf32>
    %convert_element_type3A_26 = arith.truncf %sin3A : vector<1x16000xf32> to vector<1x16000xbf16>
    %broadcast_in_dim3A = arith.constant 1.000000e+00 : bf16
    %broadcast_in_dim3A_27 = vector.broadcast %broadcast_in_dim3A : bf16 to vector<1x16000xbf16>
    %concatenate3A = tpu.concatenate %convert_element_type3A_25, %convert_element_type3A_26, %broadcast_in_dim3A_27, %convert_element_type3A_10, %convert_element_type3A_24 in 0 : vector<1x16000xbf16>, vector<1x16000xbf16>, vector<1x16000xbf16>, vector<16x16000xbf16>, vector<32x16000xbf16> -> vector<51x16000xbf16>
    %get3A_28 = arith.constant 0 : index
    %get3A_29 = arith.constant 0 : index
    %get3A_30 = vector.load %arg3[%get3A_28, %get3A_29] : memref<256x51xbf16, #tpu.memory_space<vmem>>, vector<256x51xbf16>
    %dot_general3A = arith.constant dense<0.000000e+00> : vector<256x16000xf32>
    %dot_general3A_31 = tpu.matmul %get3A_30, %concatenate3A, %dot_general3A {dimension_numbers = #tpu.dot_dimension_numbers<[1], [0], [0], [1], [0, 0, 1, 1], [], []>, transpose_lhs_hint = false} : vector<256x51xbf16>, vector<51x16000xbf16>, vector<256x16000xf32> -> vector<256x16000xf32>
    %max3A = arith.constant 0.000000e+00 : f32
    %max3A_32 = vector.broadcast %max3A : f32 to vector<256x16000xf32>
    %max3A_33 = arith.maximumf %dot_general3A_31, %max3A_32 : vector<256x16000xf32>
    %convert_element_type3A_34 = arith.truncf %max3A_33 : vector<256x16000xf32> to vector<256x16000xbf16>
    %get3A_35 = arith.constant 0 : index
    %get3A_36 = arith.constant 0 : index
    %get3A_37 = vector.load %arg4[%get3A_35, %get3A_36] : memref<256x64xbf16, #tpu.memory_space<vmem>>, vector<256x64xbf16>
    %dot_general3A_38 = arith.constant dense<0.000000e+00> : vector<64x16000xf32>
    %dot_general3A_39 = tpu.matmul %get3A_37, %convert_element_type3A_34, %dot_general3A_38 {dimension_numbers = #tpu.dot_dimension_numbers<[0], [0], [1], [1], [0, 1, 1, 1], [], []>, transpose_lhs_hint = false} : vector<256x64xbf16>, vector<256x16000xbf16>, vector<64x16000xf32> -> vector<64x16000xf32>
    %swap3A = arith.constant 0 : index
    %swap3A_40 = arith.constant 0 : index
    %swap3A_41 = vector.load %arg5[%swap3A, %swap3A_40] : memref<64x16000xf32, #tpu.memory_space<vmem>>, vector<64x16000xf32>
    tpu.vector_store %arg5[%swap3A, %swap3A_40], %dot_general3A_39 {strides = array<i32>} : memref<64x16000xf32, #tpu.memory_space<vmem>>, vector<64x16000xf32>,
    return
  }
  func.func @transform_0(%arg0: i32) -> i32 {
    %c0_i32 = arith.constant 0 : i32
    %c0_i32_0 = arith.constant 0 : i32
    return %c0_i32 : i32
  }
  func.func @transform_1(%arg0: i32) -> i32 {
    %c0_i32 = arith.constant 0 : i32
    %c0_i32_0 = arith.constant 0 : i32
    return %c0_i32 : i32
  }
  func.func @transform_2(%arg0: i32) -> (i32, i32) {
    %c0_i32 = arith.constant 0 : i32
    %c0_i32_0 = arith.constant 0 : i32
    %c0_i32_1 = arith.constant 0 : i32
    return %c0_i32, %c0_i32_0 : i32, i32
  }
  func.func @transform_3(%arg0: i32) -> (i32, i32) {
    %c0_i32 = arith.constant 0 : i32
    %c0_i32_0 = arith.constant 0 : i32
    %c0_i32_1 = arith.constant 0 : i32
    return %c0_i32, %c0_i32_0 : i32, i32
  }
  func.func @transform_4(%arg0: i32) -> (i32, i32) {
    %c0_i32 = arith.constant 0 : i32
    %c0_i32_0 = arith.constant 0 : i32
    return %c0_i32, %arg0 : i32, i32
  }
}

</mosaic_0001>

<sc_bundles>
// kernel: kernel.4.cloned.1.call-start
scs
__scs_entry_jumppad:
0x0: {  	(pc) =	sbr.rel $0x88, $3  }
0x1: {  	(tag) =	ssettag $0x0;
	lr =	simm.s32 $0x1  }
0x2: {  	[smem:$0x3F9D] =	sst lr;
	_ =	strace $0xD0000000  }
0x3: {  	_ = 	snop  }
0x4: {  	_ = 	snop  }
0x5: {  	_ = 	snop  }
0x6: {  	_ = 	snop  }
0x7: {  	_ = 	snop  }
__scs_overlays_trampoline_lowered:
0x8: {  	[smem:$0x3FAC] =	sst s0  }
0x9: {  	[smem:$0x3FAD] =	sst s1  }
0xa: {  	[smem:$0x3FAE] =	sst s2  }
0xb: {  	[smem:$0x3FAF] =	sst s3  }
0xc: {  	[smem:$0x3FB0] =	sst s4  }
0xd: {  	[smem:$0x3FB1] =	sst s5  }
0xe: {  	[smem:$0x3FB2] =	sst s6  }
0xf: {  	[smem:$0x3FB3] =	sst s7  }
0x10: {  	[smem:$0x3FB4] =	sst s8  }
0x11: {  	[smem:$0x3FB5] =	sst s9;
	s0 =	simm.s32 @!p0 $0x0  }
0x12: {  	s1 =	sld [smem:$0x3F9B];
	s0 =	simm.s32 @p0 $0x1  }
0x13: {  	[smem:$0x3FB6] =	sst s0;
	s0 =	simm.s32 @!p1 $0x0  }
0x14: {  	s2 =	sld [smem:$0x3F9A];
	s0 =	simm.s32 @p1 $0x1  }
0x15: {  	[smem:$0x3FB7] =	sst s0;
	s0 =	simm.s32 @!p2 $0x0  }
0x16: {  	s3 =	sld [smem:$0x3FDB];
	s0 =	simm.s32 @p2 $0x1  }
0x17: {  	s4 =	simm.s32 $0x1BF5;
	[smem:$0x3FB9] =	sst s0  }
0x18: {  	s0 =	sld [smem:$0x3F9C];
	_ =	swait.ge [sflag:s4], $0x0  }
0x19: {  	s7 =	sld [smem:$0x3F9D]  }
0x1a: {  	s8 =	sadd.s32 $0xFFFFE003, lr  }
0x1b: {  	s9 =	sadd.s32 $0xFFFFFEF7, lr;
	s5 =	simm.s32 $0xFFFFFFFF;
	p2 =	slt.u32 s8, $0xFFFFF086  }
0x1c: {  	p1 =	slt.u32 s9, $0xF7A;
	s5 =	simm.s32 @!p2 $0x0  }
0x1d: {  	s5 =	simm.s32 @p1 $0x1;
	p0 =	seq.s32 s7, s2  }
0x1e: {  	s7 =	smul.u32 @!p0 $0xF7A, s2;
	p2 =	seq.s32 @!p0 s5, $0x0  }
0x1f: {  	s9 =	smul.u32 $0xF7A, s1;
	s8 =	simm.s32 @!p0 $0x1BF5;
	p2 =	por !p2, p0  }
0x20: {  	[sflag:s8] =	ssyncset.s32 @!p0 $0xFFFFF086;
	s6 =	sadd.s32 @!p0 s3, s7;
	s7 =	simm.s32 @!p0 $0x108  }
0x21: {  	s3 =	sadd.s32 s3, s9;
	s6 =	sadd.s32 @!p0 $0x88, s6;
	s7 =	simm.s32 @p2 $0x1082  }
0x22: {  	[simem:s7], [sflag:s8] =	dma.local @!p0 [hbm:s6], $0xF7A  }
0x23: {  	s9 =	sor.u32 $0xD0000000, s2;
	s6 =	simm.s32 $0x108;
	_ =	swait.ge @!p0 [sflag:s8], $0x0  }
0x24: {  	s3 =	sadd.s32 $0x88, s3;
	s6 =	simm.s32 @!p1 $0x1082;
	[sflag:s4] =	ssyncset.s32 $0xFFFFF086  }
0x25: {  	[simem:s6], [sflag:s4] =	dma.local [hbm:s3], $0xF7A  }
0x26: {  	[smem:$0x3F9D] =	sst s1;
	(tag) =	ssettag s2;
	_ =	strace s9  }
0x27: {  	s1 =	sld [smem:$0x3FAD]  }
0x28: {  	s2 =	sld [smem:$0x3FAE]  }
0x29: {  	s4 =	sld [smem:$0x3FB0]  }
0x2a: {  	p0 =	seq.s32 s5, $0x0;
	s5 =	sld [smem:$0x3FB1]  }
0x2b: {  	s6 =	sld [smem:$0x3FB2]  }
0x2c: {  	s7 =	sld [smem:$0x3FB3]  }
0x2d: {  	s3 =	simm.s32 $0x108;
	s8 =	sld [smem:$0x3FB4]  }
0x2e: {  	s3 =	simm.s32 @!p0 $0x1082;
	s9 =	sld [smem:$0x3FB5]  }
0x2f: {  	lr =	sadd.s32 s0, s3;
	s0 =	sld [smem:$0x3FAC]  }
0x30: {  	s3 =	sld [smem:$0x3FAF]  }
0x31: {  	[smem:$0x3FB8] =	sst s10  }
0x32: {  	s10 =	sld [smem:$0x3FB6];
	_ =	sdelay $0x3  }
0x33: {  	p0 =	seq.s32 s10, $0x1;
	s10 =	sld [smem:$0x3FB8];
	_ =	sdelay $0x3  }
0x34: {  	[smem:$0x3FB8] =	sst s10  }
0x35: {  	s10 =	sld [smem:$0x3FB7];
	_ =	sdelay $0x3  }
0x36: {  	p1 =	seq.s32 s10, $0x1;
	s10 =	sld [smem:$0x3FB8];
	_ =	sdelay $0x3  }
0x37: {  	[smem:$0x3FB8] =	sst s10  }
0x38: {  	s10 =	sld [smem:$0x3FB9]  }
0x39: {  	_ = 	snop;
	(pc) =	sbr.ind lr, $3  }
0x3a: {  	_ = 	snop  }
0x3b: {  	_ = 	snop  }
0x3c: {  	p2 =	seq.s32 s10, $0x1;
	s10 =	sld [smem:$0x3FB8]  }
0x3d: {  	_ =	shalt  }
0x3e: {  	_ =	shalt  }
0x3f: {  	_ =	shalt  }
0x40: {  	_ =	shalt  }
0x41: {  	_ =	shalt  }
0x42: {  	_ =	shalt  }
0x43: {  	_ =	shalt  }
0x44: {  	_ =	shalt  }
0x45: {  	_ =	shalt  }
0x46: {  	_ =	shalt  }
0x47: {  	_ =	shalt  }
0x48: {  	_ =	shalt  }
0x49: {  	_ =	shalt  }
0x4a: {  	_ =	shalt  }
0x4b: {  	_ =	shalt  }
0x4c: {  	_ =	shalt  }
0x4d: {  	_ =	shalt  }
0x4e: {  	_ =	shalt  }
0x4f: {  	_ =	shalt  }
0x50: {  	_ =	shalt  }
0x51: {  	_ =	shalt  }
0x52: {  	_ =	shalt  }
0x53: {  	_ =	shalt  }
0x54: {  	_ =	shalt  }
0x55: {  	_ =	shalt  }
0x56: {  	_ =	shalt  }
0x57: {  	_ =	shalt  }
0x58: {  	_ =	shalt  }
0x59: {  	_ =	shalt  }
0x5a: {  	_ =	shalt  }
0x5b: {  	_ =	shalt  }
0x5c: {  	_ =	shalt  }
0x5d: {  	_ =	shalt  }
0x5e: {  	_ =	shalt  }
0x5f: {  	_ =	shalt  }
0x60: {  	_ =	shalt  }
0x61: {  	_ =	shalt  }
0x62: {  	_ =	shalt  }
0x63: {  	_ =	shalt  }
0x64: {  	_ =	shalt  }
0x65: {  	_ =	shalt  }
0x66: {  	_ =	shalt  }
0x67: {  	_ =	shalt  }
0x68: {  	_ =	shalt  }
0x69: {  	_ =	shalt  }
0x6a: {  	_ =	shalt  }
0x6b: {  	_ =	shalt  }
0x6c: {  	_ =	shalt  }
0x6d: {  	_ =	shalt  }
0x6e: {  	_ =	shalt  }
0x6f: {  	_ =	shalt  }
0x70: {  	_ =	shalt  }
0x71: {  	_ =	shalt  }
0x72: {  	_ =	shalt  }
0x73: {  	_ =	shalt  }
0x74: {  	_ =	shalt  }
0x75: {  	_ =	shalt  }
0x76: {  	_ =	shalt  }
0x77: {  	_ =	shalt  }
0x78: {  	_ =	shalt  }
0x79: {  	_ =	shalt  }
0x7a: {  	_ =	shalt  }
0x7b: {  	_ =	shalt  }
0x7c: {  	_ =	shalt  }
0x7d: {  	_ =	shalt  }
0x7e: {  	_ =	shalt  }
0x7f: {  	_ =	shalt  }
0x80: {  	_ =	shalt  }
0x81: {  	_ =	shalt  }
0x82: {  	_ =	shalt  }
0x83: {  	_ =	shalt  }
0x84: {  	_ =	shalt  }
0x85: {  	_ =	shalt  }
0x86: {  	_ =	shalt  }
0x87: {  	_ =	shalt  }
.Lfunc_end0:
.L_simem_size_0:
called_computation_lowered:
.L_overlay_start_0:
0x88: {  	s2 =	sld [smem:$0x3FD9]  }
0x89: {  	s3 =	sld [smem:$0x3FFE];
	_ =	sdelay $0x1  }
0x8a: {  	s1 =	srdreg.scid  }
0x8b: {  	s0 =	sand.u32 $0x1, s1  }
0x8c: {  	s18 =	sshll.u32 s0, $0xA;
	s2 =	sadd.s32 s3, s2  }
0x8d: {  	s2 =	sadd.s32 s2, s18  }
0x8e: {  	[smem:$0x3FC4] =	sst s2  }
0x8f: {  	_ = 	snop  }
0x90: {  	s2 =	sld [smem:$0x3FC8]  }
0x91: {  	s19 =	sld [smem:$0x3FC7]  }
0x92: {  	s4 =	sld [smem:$0x3FD0];
	(tm) =	ssettm $0x1  }
0x93: {  	s5 =	sld [smem:$0x3FFB];
	_ =	sdelay $0x3  }
0x94: {  	_ =	strace s5  }
0x95: {  	s5 =	sld [smem:$0x3FFC];
	_ =	sdelay $0x3  }
0x96: {  	_ =	strace s5  }
0x97: {  	s5 =	sld [smem:$0x3FFD];
	_ =	sdelay $0x3  }
0x98: {  	_ =	strace s5  }
0x99: {  	_ =	strace $0x8FFFFFFF  }
0x9a: {  	s20 =	sld [smem:$0x3FDB];
	_ =	sdelay $0x1  }
0x9b: {  	s6 =	simm.s32 $_scs_section_size  }
0x9c: {  	s7 =	simm.s32 $_size__tile_overlayer_lowered;
	s8 =	simm.s32 $_tile_overlayer_lowered  }
0x9d: {  	s23 =	simm.s32 $0x1BFF;
	s22 =	sshll.u32 s8, $0x1;
	s5 =	sadd.s32 s6, s20  }
0x9e: {  	s9 =	simm.s32 $0x0;
	s21 =	sshll.u32 s7, $0x1;
	s7 =	sadd.s32 s22, s5  }
0x9f: {  	[timem:s9], [sflag:s23] =	dma.local [hbm:s7], s21  }
0xa0: {  	_ =	swait.ge [sflag:s23], s21  }
0xa1: {  	s6 =	ssub.s32 $0x0, s21;
	[sflag:s23] =	ssyncset.done $0x0  }
0xa2: {  	[sflag:s23] =	ssyncadd.s32 s6;
	_ =	sdelay $0x1  }
0xa3: {  	s24 =	simm.s32 $0x1B8B  }
0xa4: {  	_ =	swait.ge [sflag:s24], $0x1  }
0xa5: {  	[sflag:s24] =	ssyncset.done $0x0  }
0xa6: {  	s25 =	simm.s32 $0x1B8E;
	[sflag:s24] =	ssyncadd.s32 $0xFFFFFFFF  }
0xa7: {  	s26 =	simm.s32 $execute0_lowered;
	[smem:$0x3FD2] =	sst s25  }
0xa8: {  	s6 =	sshll.u32 s26, $0x1;
	_ =	strace $0x80000046;
	[dreg:$0x1] =	wrdreg $0xFFFFFFFF  }
0xa9: {  	s28 =	simm.s32 $_size_execute0_lowered;
	s5 =	sadd.s32 s5, s6;
	[dreg:$0x0] =	wrdreg $0x0  }
0xaa: {  	s6 =	sshll.u32 s28, $0x1;
	[dreg:$0x2] =	wrdreg s5  }
0xab: {  	[dreg:$0x3] =	wrdreg s6  }
0xac: {  	[dreg:$0x4] =	wrdreg $0xC0  }
0xad: {  	_ =	task [dreg:s9], $0x5FFFF  }
0xae: {  	[dreg:$0x1] =	wrdreg $0xFFFFFFFF  }
0xaf: {  	[dreg:$0x0] =	wrdreg $0x60  }
0xb0: {  	[dreg:$0x2] =	wrdreg s2  }
0xb1: {  	[dreg:$0x3] =	wrdreg s19  }
0xb2: {  	[dreg:$0x4] =	wrdreg s4  }
0xb3: {  	[dreg:$0x5] =	wrdreg $0x9  }
0xb4: {  	_ =	task.clear_ibuf [dreg:s9], $0x6FFFF;
	_ =	strace $0x90000046  }
0xb5: {  	s29 =	simm.s32 $0x9;
	_ =	strace $0x80000048  }
0xb6: {  	_ =	swait.ge [sflag:s29], $0x1  }
0xb7: {  	[sflag:s29] =	ssyncadd.s32 $0xFFFFFFFF  }
0xb8: {  	_ =	strace $0x90000048  }
0xb9: {  	_ =	sfence  }
0xba: {  	s30 =	sld [smem:$0x0];
	_ =	sdelay $0x2  }
0xbb: {  	s31 =	sshll.u32 s1, $0xD;
	s1 =	sshrl.u32 s1, $0x2  }
0xbc: {  	s3 =	sand.u32 $0x4000, s31;
	s1 =	sadd.s32 s1, s30  }
0xbd: {  	s0 =	sor.u32 s3, s0;
	s1 =	sshll.u32 s1, $0x11  }
0xbe: {  	s0 =	sor.u32 s1, s0  }
0xbf: {  	s0 =	sadd.s32 $0x8F2B, s0  }
0xc0: {  	[sflag:s0] =	ssyncadd.remote.s32 $0x1  }
0xc1: {  	_ =	sfence.sel $0xFFFF  }
0xc2: {  	[dreg:$0x0] =	wrdreg $0xFFFFFFFF;
	(pc) =	sbr.abs _section_cstart, $3  }
0xc3: {  	[dreg:$0x1] =	wrdreg $0xFFFFFFFF  }
0xc4: {  	_ =	task.clear_ibuf [dreg:s9], $0x2FFFF;
	_ =	strace $0x9FFFFFFF  }
0xc5: {  	(tm) =	ssettm $0x7FFFFFFF  }
tec
execute0_lowered:
.L_overlay_start_1:
0x0: {  	(tag) =	ssettag $0x1  }
0x1: {  	s1 =	rddreg [dreg:$0x0];
	s2 =	srdreg.scid  }
0x2: {  	s0 =	stileid.u32;
	s4 =	rddreg [dreg:$0x1]  }
0x3: {  	s6 =	rddreg [dreg:$0x2];
	s3 =	simm.s32 $0x0;
	s10 =	simm.s32 $0x4F80  }
0x4: {  	s11 =	simm.s32 $0x3;
	s5 =	sand.u32 $0x1, s2;
	s29 =	sshll.u32 s0, $0x1  }
0x5: {  	s12 =	simm.s32 $0x0;
	s7 =	sor.u32 s5, s29;
	s5 =	ssub.s32 $0x2, s5  }
0x6: {  	[smem:$0x7FF] =	sst s3;
	s7 =	smul.u32 $0x4E2, s7;
	s8 =	sshrl.u32 s5, $0x1  }
0x7: {  	s2 =	rddreg [dreg:$0x3];
	_ =	strace $0x80000047;
	s8 =	ssub.s32 s5, s8  }
0x8: {  	s9 =	sshrl.u32 s7, $0x1;
	s30 =	sand.u32 $0xFFE0, s7;
	s7 =	simm.s32 $0x2780  }
0x9: {  	s31 =	sand.u32 $0x7FF0, s9;
	s4 =	sadd.s32 s4, s30;
	s9 =	simm.s32 $0x2  }
0xa: {  	s5 =	sadd.s32 s6, s31;
	s6 =	smax.u32 s8, $0x1;
	s8 =	simm.s32 $0x1  }
.LBB2_1:
0xb: {  	[tilespmem:s3], [sflag:$0x1] =	stream.linear.gather [hbm4b:s1+s3], $0x2780, $0x38;
	[tilespmem:$0x6380] =	vst v63  }
0xc: {  	_ = 	snop  }
0xd: {  	[tilespmem:s7], [sflag:$0x2] =	stream.linear.gather [hbm4b:s4+s3], $0x2800, $0x38;
	[tilespmem:$0x6380] =	vst v63  }
0xe: {  	_ =	swait.ge [sflag:s8], $0x2780  }
0xf: {  	[sflag:s8] =	ssyncset.done $0x0  }
0x10: {  	[sflag:s8] =	ssyncadd.s32 $0xFFFFD880  }
0x11: {  	_ =	swait.ge [sflag:s9], $0x2800  }
0x12: {  	[sflag:s9] =	ssyncset.done $0x0  }
0x13: {  	s13 =	simm.s32 $0x2800;
	s14 =	simm.s32 $0x0;
	[sflag:s9] =	ssyncadd.s32 $0xFFFFD800  }
.LBB2_2:
0x14: {  	v0 =	vld [tilespmem:s13+$0xFFFFFF80]  }
0x15: {  	v1 =	vld [tilespmem:s13+$0x0];
	_ =	sdelay $0x6  }
0x16: {  	v0 =	vld.idx.msk [tilespmem:v0+s3+$0x0], $0xffff  }
0x17: {  	v1 =	vld.idx.msk [tilespmem:v1+s3+$0x0], $0xffff;
	_ =	sdelay $0x3  }
0x18: {  	v0 =	vshll.u32 v0, $0x2  }
0x19: {  	s15 =	sshra.s32 s14, $0x2;
	v0 =	vadd.s32 v0, v1  }
0x1a: {  	[tilespmem:s15+$0x4F80] =	vst v0  }
0x1b: {  	v0 =	vld [tilespmem:s13+$0xFFFFFF90]  }
0x1c: {  	v57 =	vld [tilespmem:s13+$0x10];
	_ =	sdelay $0x6  }
0x1d: {  	v0 =	vld.idx.msk [tilespmem:v0+s3+$0x0], $0xffff  }
0x1e: {  	v1 =	vld.idx.msk [tilespmem:v57+s3+$0x0], $0xffff;
	_ =	sdelay $0x3  }
0x1f: {  	v0 =	vshll.u32 v0, $0x2  }
0x20: {  	v0 =	vadd.s32 v0, v1  }
0x21: {  	[tilespmem:s15+$0x4F90] =	vst v0  }
0x22: {  	v0 =	vld [tilespmem:s13+$0xFFFFFFA0]  }
0x23: {  	v58 =	vld [tilespmem:s13+$0x20];
	_ =	sdelay $0x6  }
0x24: {  	v0 =	vld.idx.msk [tilespmem:v0+s3+$0x0], $0xffff  }
0x25: {  	v1 =	vld.idx.msk [tilespmem:v58+s3+$0x0], $0xffff;
	_ =	sdelay $0x3  }
0x26: {  	v0 =	vshll.u32 v0, $0x2  }
0x27: {  	v0 =	vadd.s32 v0, v1  }
0x28: {  	[tilespmem:s15+$0x4FA0] =	vst v0  }
0x29: {  	v0 =	vld [tilespmem:s13+$0xFFFFFFB0]  }
0x2a: {  	v59 =	vld [tilespmem:s13+$0x30];
	_ =	sdelay $0x6  }
0x2b: {  	v0 =	vld.idx.msk [tilespmem:v0+s3+$0x0], $0xffff  }
0x2c: {  	v1 =	vld.idx.msk [tilespmem:v59+s3+$0x0], $0xffff;
	_ =	sdelay $0x3  }
0x2d: {  	v0 =	vshll.u32 v0, $0x2  }
0x2e: {  	v0 =	vadd.s32 v0, v1  }
0x2f: {  	[tilespmem:s15+$0x4FB0] =	vst v0  }
0x30: {  	v0 =	vld [tilespmem:s13+$0xFFFFFFC0]  }
0x31: {  	v60 =	vld [tilespmem:s13+$0x40];
	_ =	sdelay $0x6  }
0x32: {  	v0 =	vld.idx.msk [tilespmem:v0+s3+$0x0], $0xffff  }
0x33: {  	v1 =	vld.idx.msk [tilespmem:v60+s3+$0x0], $0xffff;
	_ =	sdelay $0x3  }
0x34: {  	v0 =	vshll.u32 v0, $0x2  }
0x35: {  	v0 =	vadd.s32 v0, v1  }
0x36: {  	[tilespmem:s15+$0x4FC0] =	vst v0  }
0x37: {  	v0 =	vld [tilespmem:s13+$0xFFFFFFD0]  }
0x38: {  	v61 =	vld [tilespmem:s13+$0x50];
	_ =	sdelay $0x6  }
0x39: {  	v0 =	vld.idx.msk [tilespmem:v0+s3+$0x0], $0xffff  }
0x3a: {  	v1 =	vld.idx.msk [tilespmem:v61+s3+$0x0], $0xffff;
	_ =	sdelay $0x3  }
0x3b: {  	v0 =	vshll.u32 v0, $0x2  }
0x3c: {  	v0 =	vadd.s32 v0, v1  }
0x3d: {  	[tilespmem:s15+$0x4FD0] =	vst v0  }
0x3e: {  	v0 =	vld [tilespmem:s13+$0xFFFFFFE0]  }
0x3f: {  	v62 =	vld [tilespmem:s13+$0x60];
	_ =	sdelay $0x6  }
0x40: {  	v0 =	vld.idx.msk [tilespmem:v0+s3+$0x0], $0xffff  }
0x41: {  	v1 =	vld.idx.msk [tilespmem:v62+s3+$0x0], $0xffff;
	_ =	sdelay $0x3  }
0x42: {  	v0 =	vshll.u32 v0, $0x2  }
0x43: {  	v0 =	vadd.s32 v0, v1  }
0x44: {  	[tilespmem:s15+$0x4FE0] =	vst v0  }
0x45: {  	v0 =	vld [tilespmem:s13+$0xFFFFFFF0]  }
0x46: {  	v63 =	vld [tilespmem:s13+$0x70];
	_ =	sdelay $0x6  }
0x47: {  	v0 =	vld.idx.msk [tilespmem:v0+s3+$0x0], $0xffff  }
0x48: {  	v1 =	vld.idx.msk [tilespmem:v63+s3+$0x0], $0xffff  }
0x49: {  	p0 =	sne.s32 s14, $0x4E00  }
.Ltmp0:
0x4a: {  	_ = 	snop;
	(pc) =	sbr.rel @p0 .LBB2_2-.Ltmp0, $4  }
0x4b: {  	_ = 	snop  }
0x4c: {  	v0 =	vshll.u32 v0, $0x2  }
0x4d: {  	v0 =	vadd.s32 v0, v1  }
0x4e: {  	s14 =	sadd.s32 $0x200, s14;
	s13 =	sadd.s32 $0x100, s13;
	[tilespmem:s15+$0x4FF0] =	vst v0  }
0x4f: {  	s12 =	sadd.s32 $0x1, s12  }
0x50: {  	p0 =	sne.s32 s12, s6  }
.Ltmp1:
0x51: {  	_ = 	snop;
	(pc) =	sbr.rel @p0 .LBB2_1-.Ltmp1, $4  }
0x52: {  	[hbm4b:s5+s3] =	stream.linear.scatter [tilespmem:s10], [sflag:$0x3], $0x1400, $0x38;
	[tilespmem:$0x6380] =	vst v63  }
0x53: {  	_ =	swait.ge [sflag:s11], $0x1400  }
0x54: {  	[sflag:s11] =	ssyncset.done $0x0  }
0x55: {  	[sflag:s11] =	ssyncadd.s32 $0xFFFFEC00  }
0x56: {  	_ =	sfence.sel $0x180000  }
0x57: {  	[bflag:$0x0] =	sbarrier.arrive $0xFFFF  }
0x58: {  	p0 =	sne.s32 s0, $0x0;
	_ =	strace $0x90000047  }
0x59: {  	s0 =	sadd.s32 @!p0 $0x100000, s2;
	[bflag:$0x2] =	sbarrier.arrive $0xFFFF  }
0x5a: {  	[sflag:s0] =	ssyncadd.tile.s32 @!p0 $0x1;
	_ =	shalt  }
.Lfunc_end2:
_tile_overlayer_lowered:
.L_overlay_start_2:
0x5b: {  	(tag) =	ssettag $0x2  }
0x5c: {  	s0 =	rddreg [dreg:$0x0];
	s2 =	stileid.u32  }
0x5d: {  	s1 =	rddreg [dreg:$0x1];
	p0 =	sne.s32 s2, $0x0  }
0x5e: {  	s3 =	rddreg [dreg:$0x2];
	[bflag:$0x3] =	sbarrier.arrive $0xFFFF;
	s2 =	simm.s32 @!p0 $0x1C03  }
0x5f: {  	[timem:s3], [sflag:s2] =	dma.local @!p0 [hbm:s0], s1  }
0x60: {  	s0 =	simm.s32 @!p0 $0x3  }
0x61: {  	_ =	swait.ge @!p0 [sflag:s0], s1  }
0x62: {  	s1 =	ssub.s32 @!p0 $0x0, s1;
	[sflag:s0] =	ssyncset.done @!p0 $0x0  }
0x63: {  	[sflag:s0] =	ssyncadd.s32 @!p0 s1  }
0x64: {  	[bflag:$0x3] =	sbarrier.arrive $0xFFFF  }
0x65: {  	_ =	shalt  }

</sc_bundles>
